<compile_context>
chip_gen: v7x
topology: tpu7x:2x2x1
jax: 0.10.2.dev20260603
libtpu: 0.0.44.dev20260713+nightly
codegen_flags: <defaults>
</compile_context>

<pallas_src>
import functools

import jax
import jax.numpy as jnp
from jax import lax
from jax.experimental import pallas as pl
from jax.experimental.pallas import tpu as pltpu
from jax.experimental.pallas import tpu_sc as plsc

LANES = 16


def kernel(input_ids, token_table, pos_table):
    B, S = input_ids.shape
    V, D = token_table.shape
    NW = 32
    NB = B // (NW * 8)

    ids_w = input_ids.astype(jnp.int32).reshape(NW, NB * 8, S).transpose(0, 2, 1)

    mesh = plsc.VectorSubcoreMesh(core_axis_name="c", subcore_axis_name="s")

    @functools.partial(
        pl.kernel,
        mesh=mesh,
        out_type=jax.ShapeDtypeStruct((S, B, D), jnp.float32),
        scratch_types=[
            pltpu.VMEM((S, D), jnp.float32),
            pltpu.VMEM((S, NB * 8), jnp.int32),
            pltpu.VMEM((8, D), jnp.float32),
            pltpu.VMEM((8, D), jnp.float32),
            pltpu.VMEM((8, D), jnp.float32),
            pltpu.VMEM((8, D), jnp.float32),
            pltpu.SemaphoreType.DMA,
            pltpu.SemaphoreType.DMA,
            pltpu.SemaphoreType.DMA,
            pltpu.SemaphoreType.DMA,
            pltpu.SemaphoreType.DMA,
            pltpu.SemaphoreType.DMA,
            pltpu.SemaphoreType.DMA,
            pltpu.SemaphoreType.DMA,
        ],
    )
    def k(idx_hbm, tok_hbm, pos_hbm, out_hbm, pos_v, idx_v,
          b0, b1, b2, b3, g0, g1, g2, g3, s0_, s1_, s2_, s3_):
        bufs = [b0, b1, b2, b3]
        gsems = [g0, g1, g2, g3]
        ssems = [s0_, s1_, s2_, s3_]
        c = lax.axis_index("c")
        s = lax.axis_index("s")
        wid = s * 2 + c
        col0 = wid * NB * 8
        pltpu.sync_copy(pos_hbm, pos_v)
        pltpu.sync_copy(idx_hbm.at[wid], idx_v)

        def gather(srow, j, slot):
            pltpu.async_copy(
                tok_hbm.at[idx_v.at[srow, pl.ds(8 * j, 8)]],
                bufs[slot], gsems[slot])

        def gather_wait(srow, j, slot):
            pltpu.make_async_copy(
                tok_hbm.at[idx_v.at[srow, pl.ds(8 * j, 8)]],
                bufs[slot], gsems[slot]).wait()

        def scatter(srow, j, slot):
            pltpu.async_copy(
                bufs[slot], out_hbm.at[srow, pl.ds(col0 + 8 * j, 8), :],
                ssems[slot])

        def scatter_wait(srow, j, slot):
            pltpu.make_async_copy(
                bufs[slot], out_hbm.at[srow, pl.ds(col0 + 8 * j, 8), :],
                ssems[slot]).wait()

        gather(0, 0, 0)
        gather(0, 1, 1)

        def round_fn(rd, carry):
            for j in range(NB):
                slot = j
                pslot = (j - 2) % NB
                if j < 2:
                    @pl.when(rd > 0)
                    def _():
                        scatter_wait(rd - 1, j + 2, pslot)
                else:
                    scatter_wait(rd, j - 2, pslot)
                if j < 2:
                    gather(rd, j + 2, pslot)
                else:
                    @pl.when(rd < S - 1)
                    def _():
                        gather(rd + 1, j - 2, pslot)
                gather_wait(rd, j, slot)

                @plsc.parallel_loop(0, 1, unroll=1)
                def add_j(jj, slot=slot):
                    sl = pl.ds(jj * LANES, LANES)
                    v = pos_v[rd, sl]
                    plsc.addupdate(bufs[slot].at[0, sl], v)

                scatter(rd, j, slot)
            return carry

        lax.fori_loop(0, S, round_fn, 0)
        scatter_wait(S - 1, 2, 2)
        scatter_wait(S - 1, 3, 3)

    out = k(ids_w, token_table, pos_table)
    return jnp.transpose(out, (1, 0, 2))

# --- scband reference (transcript-rebuilt; emitter-appended) ---
"""Pipeline reference for scband-ne-ticliptext-embeddings-28484223107572 (READ-ONLY COPY).

The authoritative reference and input builder live on the scoring server;
editing this copy changes nothing except your own understanding.
"""

import jax, jax.numpy as jnp
import numpy as np

VOCAB = 49408
EMBED = 1024
MAX_POS = 77
BATCH = 1024
SEQ = 77

def setup_inputs(seed: int = 0) -> dict:
    key = jax.random.key(seed)
    k1, k2, k3 = jax.random.split(key, 3)
    input_ids = jax.random.randint(k1, (BATCH, SEQ), 0, VOCAB, dtype=jnp.int64 if jax.config.jax_enable_x64 else jnp.int32)
    token_table = jax.random.normal(k2, (VOCAB, EMBED), dtype=jnp.float32) * 0.02
    pos_table = jax.random.normal(k3, (MAX_POS, EMBED), dtype=jnp.float32) * 0.02
    return {"input_ids": input_ids, "token_table": token_table, "pos_table": pos_table}

def reference(input_ids, token_table, pos_table):
    # batch=None path of NeTICLIPTextEmbeddings.forward:
    # inputs_embeds = token_embedding(input_ids)
    seq_length = input_ids.shape[-1]
    inputs_embeds = jnp.take(token_table, input_ids, axis=0)  # [B, S, D]
    # position_ids = self.position_ids[:, :seq_length] -> [1, S]
    position_ids = jnp.arange(seq_length)[None, :]
    position_embeddings = jnp.take(pos_table, position_ids, axis=0)  # [1, S, D]
    embeddings = inputs_embeds + position_embeddings
    # (embeddings, bypass_outputs=None, mapper_outputs=None) -> return the array
    return embeddings

if __name__ == "__main__":
    import jax
    _d = setup_inputs()
    print(jax.jit(kernel)(*tuple(_d.values())))

</pallas_src>

<mosaic_0001>
#map = affine_map<(d0, d1) -> (0, 0, 0)>
#map1 = affine_map<(d0, d1) -> (0, 0)>
module attributes {stable_mosaic.version = 14 : i64} {
  func.func @k(%arg0: i32, %arg1: i32, %arg2: memref<32x77x32xi32, #tpu.memory_space<hbm>>, %arg3: memref<49408x1024xf32, #tpu.memory_space<hbm>>, %arg4: memref<77x1024xf32, #tpu.memory_space<hbm>>, %arg5: memref<77x1024x1024xf32, #tpu.memory_space<hbm>>, %arg6: memref<77x1024xf32, #tpu.memory_space<vmem>>, %arg7: memref<77x32xi32, #tpu.memory_space<vmem>>, %arg8: memref<8x1024xf32, #tpu.memory_space<vmem>>, %arg9: memref<8x1024xf32, #tpu.memory_space<vmem>>, %arg10: memref<8x1024xf32, #tpu.memory_space<vmem>>, %arg11: memref<8x1024xf32, #tpu.memory_space<vmem>>, %arg12: memref<!tpu.dma_semaphore, #tpu.memory_space<semaphore_mem>>, %arg13: memref<!tpu.dma_semaphore, #tpu.memory_space<semaphore_mem>>, %arg14: memref<!tpu.dma_semaphore, #tpu.memory_space<semaphore_mem>>, %arg15: memref<!tpu.dma_semaphore, #tpu.memory_space<semaphore_mem>>, %arg16: memref<!tpu.dma_semaphore, #tpu.memory_space<semaphore_mem>>, %arg17: memref<!tpu.dma_semaphore, #tpu.memory_space<semaphore_mem>>, %arg18: memref<!tpu.dma_semaphore, #tpu.memory_space<semaphore_mem>>, %arg19: memref<!tpu.dma_semaphore, #tpu.memory_space<semaphore_mem>>) attributes {dimension_semantics = [#tpu.dimension_semantics<core_parallel>, #tpu.dimension_semantics<subcore_parallel>], iteration_bounds = array<i64: 2, 16>, scalar_prefetch = 0 : i64, scratch_operands = 14 : i64, tpu.core_type = #tpu.core_type<sc_vector_subcore>, window_params = [{transform_indices = #map}, {transform_indices = #map1}, {transform_indices = #map1}, {transform_indices = #map}]} {
    %mul3A = arith.constant 2 : i32
    %mul3A_0 = arith.muli %arg1, %mul3A : i32
    %add3A = arith.addi %mul3A_0, %arg0 : i32
    %mul3A_1 = arith.constant 4 : i32
    %mul3A_2 = arith.muli %add3A, %mul3A_1 : i32
    %mul3A_3 = arith.constant 8 : i32
    %mul3A_4 = arith.muli %mul3A_2, %mul3A_3 : i32
    "tpu.region"() ({
      %run_scoped3A = tpu.sem_alloc : memref<!tpu.dma_semaphore, #tpu.memory_space<semaphore_mem>>
      tpu.enqueue_dma source(%arg4 : memref<77x1024xf32, #tpu.memory_space<hbm>>) target(%arg6 : memref<77x1024xf32, #tpu.memory_space<vmem>>) target_semaphore(%run_scoped3A : memref<!tpu.dma_semaphore, #tpu.memory_space<semaphore_mem>>)
      tpu.wait_dma2 semaphore(%run_scoped3A : memref<!tpu.dma_semaphore, #tpu.memory_space<semaphore_mem>>) src(%arg4 : memref<77x1024xf32, #tpu.memory_space<hbm>>) dst(%arg6 : memref<77x1024xf32, #tpu.memory_space<vmem>>)
      tpu.yield
    }) : () -> ()
    "tpu.region"() ({
      %run_scoped3A = tpu.sem_alloc : memref<!tpu.dma_semaphore, #tpu.memory_space<semaphore_mem>>
      %dma_start3A_40 = arith.constant 0 : i32
      %dma_start3A_41 = arith.constant 0 : i32
      %dma_start3A_42 = tpu.memref_slice %arg2[%add3A, %dma_start3A_40, %dma_start3A_41] : memref<32x77x32xi32, #tpu.memory_space<hbm>> -> memref<1x77x32xi32, #tpu.memory_space<hbm>>
      %dma_start3A_43 = tpu.memref_squeeze %dma_start3A_42 : memref<1x77x32xi32, #tpu.memory_space<hbm>> -> memref<77x32xi32, #tpu.memory_space<hbm>>
      %dma_start3A_44 = arith.constant 0 : i32
      %dma_start3A_45 = arith.constant 0 : i32
      %dma_start3A_46 = tpu.memref_slice %arg2[%add3A, %dma_start3A_44, %dma_start3A_45] : memref<32x77x32xi32, #tpu.memory_space<hbm>> -> memref<1x77x32xi32, #tpu.memory_space<hbm>>
      %dma_start3A_47 = tpu.memref_squeeze %dma_start3A_46 : memref<1x77x32xi32, #tpu.memory_space<hbm>> -> memref<77x32xi32, #tpu.memory_space<hbm>>
      tpu.enqueue_dma source(%dma_start3A_47 : memref<77x32xi32, #tpu.memory_space<hbm>>) target(%arg7 : memref<77x32xi32, #tpu.memory_space<vmem>>) target_semaphore(%run_scoped3A : memref<!tpu.dma_semaphore, #tpu.memory_space<semaphore_mem>>)
      %dma_wait3A_48 = arith.constant 0 : i32
      %dma_wait3A_49 = arith.constant 0 : i32
      %dma_wait3A_50 = tpu.memref_slice %arg2[%add3A, %dma_wait3A_48, %dma_wait3A_49] : memref<32x77x32xi32, #tpu.memory_space<hbm>> -> memref<1x77x32xi32, #tpu.memory_space<hbm>>
      %dma_wait3A_51 = tpu.memref_squeeze %dma_wait3A_50 : memref<1x77x32xi32, #tpu.memory_space<hbm>> -> memref<77x32xi32, #tpu.memory_space<hbm>>
      %dma_wait3A_52 = arith.constant 0 : i32
      %dma_wait3A_53 = arith.constant 0 : i32
      %dma_wait3A_54 = tpu.memref_slice %arg2[%add3A, %dma_wait3A_52, %dma_wait3A_53] : memref<32x77x32xi32, #tpu.memory_space<hbm>> -> memref<1x77x32xi32, #tpu.memory_space<hbm>>
      %dma_wait3A_55 = tpu.memref_squeeze %dma_wait3A_54 : memref<1x77x32xi32, #tpu.memory_space<hbm>> -> memref<77x32xi32, #tpu.memory_space<hbm>>
      tpu.wait_dma2 semaphore(%run_scoped3A : memref<!tpu.dma_semaphore, #tpu.memory_space<semaphore_mem>>) src(%dma_wait3A_55 : memref<77x32xi32, #tpu.memory_space<hbm>>) dst(%arg7 : memref<77x32xi32, #tpu.memory_space<vmem>>)
      tpu.yield
    }) : () -> ()
    %dma_start3A = arith.constant 0 : i32
    %dma_start3A_5 = arith.constant 0 : i32
    %dma_start3A_6 = tpu.memref_slice %arg7[%dma_start3A, %dma_start3A_5] : memref<77x32xi32, #tpu.memory_space<vmem>> -> memref<1x8xi32, #tpu.memory_space<vmem>>
    %dma_start3A_7 = tpu.memref_squeeze %dma_start3A_6 : memref<1x8xi32, #tpu.memory_space<vmem>> -> memref<8xi32, #tpu.memory_space<vmem>>
    %dma_start3A_8 = arith.constant 0 : i32
    %dma_start3A_9 = arith.constant 0 : i32
    %dma_start3A_10 = tpu.memref_slice %arg3[%dma_start3A_8, %dma_start3A_9] : memref<49408x1024xf32, #tpu.memory_space<hbm>> -> memref<49408x1024xf32, #tpu.memory_space<hbm>>
    tpu.enqueue_indirect_dma source(%dma_start3A_10 : memref<49408x1024xf32, #tpu.memory_space<hbm>>) target(%arg8 : memref<8x1024xf32, #tpu.memory_space<vmem>>) offsets(%dma_start3A_7 : memref<8xi32, #tpu.memory_space<vmem>>) semaphore(%arg12 : memref<!tpu.dma_semaphore, #tpu.memory_space<semaphore_mem>>)
    %dma_start3A_11 = arith.constant 0 : i32
    %dma_start3A_12 = arith.constant 8 : i32
    %dma_start3A_13 = tpu.memref_slice %arg7[%dma_start3A_11, %dma_start3A_12] : memref<77x32xi32, #tpu.memory_space<vmem>> -> memref<1x8xi32, #tpu.memory_space<vmem>>
    %dma_start3A_14 = tpu.memref_squeeze %dma_start3A_13 : memref<1x8xi32, #tpu.memory_space<vmem>> -> memref<8xi32, #tpu.memory_space<vmem>>
    %dma_start3A_15 = arith.constant 0 : i32
    %dma_start3A_16 = arith.constant 0 : i32
    %dma_start3A_17 = tpu.memref_slice %arg3[%dma_start3A_15, %dma_start3A_16] : memref<49408x1024xf32, #tpu.memory_space<hbm>> -> memref<49408x1024xf32, #tpu.memory_space<hbm>>
    tpu.enqueue_indirect_dma source(%dma_start3A_17 : memref<49408x1024xf32, #tpu.memory_space<hbm>>) target(%arg9 : memref<8x1024xf32, #tpu.memory_space<vmem>>) offsets(%dma_start3A_14 : memref<8xi32, #tpu.memory_space<vmem>>) semaphore(%arg13 : memref<!tpu.dma_semaphore, #tpu.memory_space<semaphore_mem>>)
    %scan3A = arith.constant 0 : i32
    %scan3A_18 = arith.constant 0 : i32
    %scan3A_19 = arith.constant 77 : i32
    %scan3A_20 = arith.addi %scan3A_18, %scan3A_19 : i32
    %scan3A_21 = arith.constant 1 : i32
    scf.for %scan3A_40 = %scan3A_18 to %scan3A_20 step %scan3A_21  : i32 {
      %gt3A = arith.constant 0 : i32
      %gt3A_41 = arith.cmpi sgt, %scan3A_40, %gt3A : i32
      %convert_element_type3A = arith.extui %gt3A_41 : i1 to i32
      %cond3A = arith.constant 0 : i32
      %cond3A_42 = arith.cmpi ne, %convert_element_type3A, %cond3A : i32
      scf.if %cond3A_42 {
        %sub3A = arith.constant 1 : i32
        %sub3A_152 = arith.subi %scan3A_40, %sub3A : i32
        %add3A_153 = arith.constant 16 : i32
        %add3A_154 = arith.addi %mul3A_4, %add3A_153 : i32
        %dma_wait3A_155 = arith.constant 0 : i32
        %dma_wait3A_156 = tpu.memref_slice %arg5[%sub3A_152, %add3A_154, %dma_wait3A_155] : memref<77x1024x1024xf32, #tpu.memory_space<hbm>> -> memref<1x8x1024xf32, #tpu.memory_space<hbm>>
        %dma_wait3A_157 = tpu.memref_squeeze %dma_wait3A_156 : memref<1x8x1024xf32, #tpu.memory_space<hbm>> -> memref<8x1024xf32, #tpu.memory_space<hbm>>
        %dma_wait3A_158 = arith.constant 0 : i32
        %dma_wait3A_159 = tpu.memref_slice %arg5[%sub3A_152, %add3A_154, %dma_wait3A_158] : memref<77x1024x1024xf32, #tpu.memory_space<hbm>> -> memref<1x8x1024xf32, #tpu.memory_space<hbm>>
        %dma_wait3A_160 = tpu.memref_squeeze %dma_wait3A_159 : memref<1x8x1024xf32, #tpu.memory_space<hbm>> -> memref<8x1024xf32, #tpu.memory_space<hbm>>
        tpu.wait_dma2 semaphore(%arg18 : memref<!tpu.dma_semaphore, #tpu.memory_space<semaphore_mem>>) src(%arg10 : memref<8x1024xf32, #tpu.memory_space<vmem>>) dst(%dma_wait3A_160 : memref<8x1024xf32, #tpu.memory_space<hbm>>)
      } else {
      }
      %dma_start3A_43 = arith.constant 16 : i32
      %dma_start3A_44 = tpu.memref_slice %arg7[%scan3A_40, %dma_start3A_43] : memref<77x32xi32, #tpu.memory_space<vmem>> -> memref<1x8xi32, #tpu.memory_space<vmem>>
      %dma_start3A_45 = tpu.memref_squeeze %dma_start3A_44 : memref<1x8xi32, #tpu.memory_space<vmem>> -> memref<8xi32, #tpu.memory_space<vmem>>
      %dma_start3A_46 = arith.constant 0 : i32
      %dma_start3A_47 = arith.constant 0 : i32
      %dma_start3A_48 = tpu.memref_slice %arg3[%dma_start3A_46, %dma_start3A_47] : memref<49408x1024xf32, #tpu.memory_space<hbm>> -> memref<49408x1024xf32, #tpu.memory_space<hbm>>
      tpu.enqueue_indirect_dma source(%dma_start3A_48 : memref<49408x1024xf32, #tpu.memory_space<hbm>>) target(%arg10 : memref<8x1024xf32, #tpu.memory_space<vmem>>) offsets(%dma_start3A_45 : memref<8xi32, #tpu.memory_space<vmem>>) semaphore(%arg14 : memref<!tpu.dma_semaphore, #tpu.memory_space<semaphore_mem>>)
      %dma_wait3A_49 = arith.constant 0 : i32
      %dma_wait3A_50 = tpu.memref_slice %arg7[%scan3A_40, %dma_wait3A_49] : memref<77x32xi32, #tpu.memory_space<vmem>> -> memref<1x8xi32, #tpu.memory_space<vmem>>
      %dma_wait3A_51 = tpu.memref_squeeze %dma_wait3A_50 : memref<1x8xi32, #tpu.memory_space<vmem>> -> memref<8xi32, #tpu.memory_space<vmem>>
      %dma_wait3A_52 = arith.constant 0 : i32
      %dma_wait3A_53 = arith.constant 0 : i32
      %dma_wait3A_54 = tpu.memref_slice %arg3[%dma_wait3A_52, %dma_wait3A_53] : memref<49408x1024xf32, #tpu.memory_space<hbm>> -> memref<49408x1024xf32, #tpu.memory_space<hbm>>
      tpu.wait_indirect_dma semaphore(%arg12 : memref<!tpu.dma_semaphore, #tpu.memory_space<semaphore_mem>>) src(%dma_wait3A_54 : memref<49408x1024xf32, #tpu.memory_space<hbm>>) dst(%arg8 : memref<8x1024xf32, #tpu.memory_space<vmem>>)
      %parallel_loop3A = arith.constant 0 : i32
      %parallel_loop3A_55 = arith.constant 1 : i32
      %parallel_loop3A_56 = arith.constant 1 : i32
      scf.for %parallel_loop3A_152 = %parallel_loop3A to %parallel_loop3A_55 step %parallel_loop3A_56  : i32 {
        %parallel_loop3A_153 = arith.constant 16 : i32
        %parallel_loop3A_154 = arith.muli %parallel_loop3A_152, %parallel_loop3A_153 : i32
        %parallel_loop3A_155 = arith.index_cast %scan3A_40 : i32 to index
        %parallel_loop3A_156 = arith.index_cast %parallel_loop3A_154 : i32 to index
        %parallel_loop3A_157 = tpu.vector_load %arg6[%parallel_loop3A_155, %parallel_loop3A_156] {strides = array<i32>} : memref<77x1024xf32, #tpu.memory_space<vmem>>, vector<1x16xf32>,
        %parallel_loop3A_158 = vector.shape_cast %parallel_loop3A_157 : vector<1x16xf32> to vector<16xf32>
        %parallel_loop3A_159 = arith.constant 0 : i32
        %parallel_loop3A_160 = arith.index_cast %parallel_loop3A_159 : i32 to index
        %parallel_loop3A_161 = arith.index_cast %parallel_loop3A_154 : i32 to index
        %parallel_loop3A_162 = tpu.vector_load %arg8[%parallel_loop3A_160, %parallel_loop3A_161] {strides = array<i32>} : memref<8x1024xf32, #tpu.memory_space<vmem>>, vector<1x16xf32>,
        %parallel_loop3A_163 = vector.shape_cast %parallel_loop3A_162 : vector<1x16xf32> to vector<16xf32>
        %parallel_loop3A_164 = vector.shape_cast %parallel_loop3A_158 : vector<16xf32> to vector<1x16xf32>
        tpu.vector_store %arg8[%parallel_loop3A_160, %parallel_loop3A_161], %parallel_loop3A_164 {add = true, strides = array<i32>} : memref<8x1024xf32, #tpu.memory_space<vmem>>, vector<1x16xf32>,
      } {sc.loop_unroll_factor = 1 : i64, sc.parallel_access}
      %add3A_57 = arith.constant 0 : i32
      %add3A_58 = arith.addi %mul3A_4, %add3A_57 : i32
      %dma_start3A_59 = arith.constant 0 : i32
      %dma_start3A_60 = tpu.memref_slice %arg5[%scan3A_40, %add3A_58, %dma_start3A_59] : memref<77x1024x1024xf32, #tpu.memory_space<hbm>> -> memref<1x8x1024xf32, #tpu.memory_space<hbm>>
      %dma_start3A_61 = tpu.memref_squeeze %dma_start3A_60 : memref<1x8x1024xf32, #tpu.memory_space<hbm>> -> memref<8x1024xf32, #tpu.memory_space<hbm>>
      %dma_start3A_62 = arith.constant 0 : i32
      %dma_start3A_63 = tpu.memref_slice %arg5[%scan3A_40, %add3A_58, %dma_start3A_62] : memref<77x1024x1024xf32, #tpu.memory_space<hbm>> -> memref<1x8x1024xf32, #tpu.memory_space<hbm>>
      %dma_start3A_64 = tpu.memref_squeeze %dma_start3A_63 : memref<1x8x1024xf32, #tpu.memory_space<hbm>> -> memref<8x1024xf32, #tpu.memory_space<hbm>>
      tpu.enqueue_dma source(%arg8 : memref<8x1024xf32, #tpu.memory_space<vmem>>) target(%dma_start3A_64 : memref<8x1024xf32, #tpu.memory_space<hbm>>) target_semaphore(%arg16 : memref<!tpu.dma_semaphore, #tpu.memory_space<semaphore_mem>>)
      %gt3A_65 = arith.constant 0 : i32
      %gt3A_66 = arith.cmpi sgt, %scan3A_40, %gt3A_65 : i32
      %convert_element_type3A_67 = arith.extui %gt3A_66 : i1 to i32
      %cond3A_68 = arith.constant 0 : i32
      %cond3A_69 = arith.cmpi ne, %convert_element_type3A_67, %cond3A_68 : i32
      scf.if %cond3A_69 {
        %sub3A = arith.constant 1 : i32
        %sub3A_152 = arith.subi %scan3A_40, %sub3A : i32
        %add3A_153 = arith.constant 24 : i32
        %add3A_154 = arith.addi %mul3A_4, %add3A_153 : i32
        %dma_wait3A_155 = arith.constant 0 : i32
        %dma_wait3A_156 = tpu.memref_slice %arg5[%sub3A_152, %add3A_154, %dma_wait3A_155] : memref<77x1024x1024xf32, #tpu.memory_space<hbm>> -> memref<1x8x1024xf32, #tpu.memory_space<hbm>>
        %dma_wait3A_157 = tpu.memref_squeeze %dma_wait3A_156 : memref<1x8x1024xf32, #tpu.memory_space<hbm>> -> memref<8x1024xf32, #tpu.memory_space<hbm>>
        %dma_wait3A_158 = arith.constant 0 : i32
        %dma_wait3A_159 = tpu.memref_slice %arg5[%sub3A_152, %add3A_154, %dma_wait3A_158] : memref<77x1024x1024xf32, #tpu.memory_space<hbm>> -> memref<1x8x1024xf32, #tpu.memory_space<hbm>>
        %dma_wait3A_160 = tpu.memref_squeeze %dma_wait3A_159 : memref<1x8x1024xf32, #tpu.memory_space<hbm>> -> memref<8x1024xf32, #tpu.memory_space<hbm>>
        tpu.wait_dma2 semaphore(%arg19 : memref<!tpu.dma_semaphore, #tpu.memory_space<semaphore_mem>>) src(%arg11 : memref<8x1024xf32, #tpu.memory_space<vmem>>) dst(%dma_wait3A_160 : memref<8x1024xf32, #tpu.memory_space<hbm>>)
      } else {
      }
      %dma_start3A_70 = arith.constant 24 : i32
      %dma_start3A_71 = tpu.memref_slice %arg7[%scan3A_40, %dma_start3A_70] : memref<77x32xi32, #tpu.memory_space<vmem>> -> memref<1x8xi32, #tpu.memory_space<vmem>>
      %dma_start3A_72 = tpu.memref_squeeze %dma_start3A_71 : memref<1x8xi32, #tpu.memory_space<vmem>> -> memref<8xi32, #tpu.memory_space<vmem>>
      %dma_start3A_73 = arith.constant 0 : i32
      %dma_start3A_74 = arith.constant 0 : i32
      %dma_start3A_75 = tpu.memref_slice %arg3[%dma_start3A_73, %dma_start3A_74] : memref<49408x1024xf32, #tpu.memory_space<hbm>> -> memref<49408x1024xf32, #tpu.memory_space<hbm>>
      tpu.enqueue_indirect_dma source(%dma_start3A_75 : memref<49408x1024xf32, #tpu.memory_space<hbm>>) target(%arg11 : memref<8x1024xf32, #tpu.memory_space<vmem>>) offsets(%dma_start3A_72 : memref<8xi32, #tpu.memory_space<vmem>>) semaphore(%arg15 : memref<!tpu.dma_semaphore, #tpu.memory_space<semaphore_mem>>)
      %dma_wait3A_76 = arith.constant 8 : i32
      %dma_wait3A_77 = tpu.memref_slice %arg7[%scan3A_40, %dma_wait3A_76] : memref<77x32xi32, #tpu.memory_space<vmem>> -> memref<1x8xi32, #tpu.memory_space<vmem>>
      %dma_wait3A_78 = tpu.memref_squeeze %dma_wait3A_77 : memref<1x8xi32, #tpu.memory_space<vmem>> -> memref<8xi32, #tpu.memory_space<vmem>>
      %dma_wait3A_79 = arith.constant 0 : i32
      %dma_wait3A_80 = arith.constant 0 : i32
      %dma_wait3A_81 = tpu.memref_slice %arg3[%dma_wait3A_79, %dma_wait3A_80] : memref<49408x1024xf32, #tpu.memory_space<hbm>> -> memref<49408x1024xf32, #tpu.memory_space<hbm>>
      tpu.wait_indirect_dma semaphore(%arg13 : memref<!tpu.dma_semaphore, #tpu.memory_space<semaphore_mem>>) src(%dma_wait3A_81 : memref<49408x1024xf32, #tpu.memory_space<hbm>>) dst(%arg9 : memref<8x1024xf32, #tpu.memory_space<vmem>>)
      %parallel_loop3A_82 = arith.constant 0 : i32
      %parallel_loop3A_83 = arith.constant 1 : i32
      %parallel_loop3A_84 = arith.constant 1 : i32
      scf.for %parallel_loop3A_152 = %parallel_loop3A_82 to %parallel_loop3A_83 step %parallel_loop3A_84  : i32 {
        %parallel_loop3A_153 = arith.constant 16 : i32
        %parallel_loop3A_154 = arith.muli %parallel_loop3A_152, %parallel_loop3A_153 : i32
        %parallel_loop3A_155 = arith.index_cast %scan3A_40 : i32 to index
        %parallel_loop3A_156 = arith.index_cast %parallel_loop3A_154 : i32 to index
        %parallel_loop3A_157 = tpu.vector_load %arg6[%parallel_loop3A_155, %parallel_loop3A_156] {strides = array<i32>} : memref<77x1024xf32, #tpu.memory_space<vmem>>, vector<1x16xf32>,
        %parallel_loop3A_158 = vector.shape_cast %parallel_loop3A_157 : vector<1x16xf32> to vector<16xf32>
        %parallel_loop3A_159 = arith.constant 0 : i32
        %parallel_loop3A_160 = arith.index_cast %parallel_loop3A_159 : i32 to index
        %parallel_loop3A_161 = arith.index_cast %parallel_loop3A_154 : i32 to index
        %parallel_loop3A_162 = tpu.vector_load %arg9[%parallel_loop3A_160, %parallel_loop3A_161] {strides = array<i32>} : memref<8x1024xf32, #tpu.memory_space<vmem>>, vector<1x16xf32>,
        %parallel_loop3A_163 = vector.shape_cast %parallel_loop3A_162 : vector<1x16xf32> to vector<16xf32>
        %parallel_loop3A_164 = vector.shape_cast %parallel_loop3A_158 : vector<16xf32> to vector<1x16xf32>
        tpu.vector_store %arg9[%parallel_loop3A_160, %parallel_loop3A_161], %parallel_loop3A_164 {add = true, strides = array<i32>} : memref<8x1024xf32, #tpu.memory_space<vmem>>, vector<1x16xf32>,
      } {sc.loop_unroll_factor = 1 : i64, sc.parallel_access}
      %add3A_85 = arith.constant 8 : i32
      %add3A_86 = arith.addi %mul3A_4, %add3A_85 : i32
      %dma_start3A_87 = arith.constant 0 : i32
      %dma_start3A_88 = tpu.memref_slice %arg5[%scan3A_40, %add3A_86, %dma_start3A_87] : memref<77x1024x1024xf32, #tpu.memory_space<hbm>> -> memref<1x8x1024xf32, #tpu.memory_space<hbm>>
      %dma_start3A_89 = tpu.memref_squeeze %dma_start3A_88 : memref<1x8x1024xf32, #tpu.memory_space<hbm>> -> memref<8x1024xf32, #tpu.memory_space<hbm>>
      %dma_start3A_90 = arith.constant 0 : i32
      %dma_start3A_91 = tpu.memref_slice %arg5[%scan3A_40, %add3A_86, %dma_start3A_90] : memref<77x1024x1024xf32, #tpu.memory_space<hbm>> -> memref<1x8x1024xf32, #tpu.memory_space<hbm>>
      %dma_start3A_92 = tpu.memref_squeeze %dma_start3A_91 : memref<1x8x1024xf32, #tpu.memory_space<hbm>> -> memref<8x1024xf32, #tpu.memory_space<hbm>>
      tpu.enqueue_dma source(%arg9 : memref<8x1024xf32, #tpu.memory_space<vmem>>) target(%dma_start3A_92 : memref<8x1024xf32, #tpu.memory_space<hbm>>) target_semaphore(%arg17 : memref<!tpu.dma_semaphore, #tpu.memory_space<semaphore_mem>>)
      %add3A_93 = arith.constant 0 : i32
      %add3A_94 = arith.addi %mul3A_4, %add3A_93 : i32
      %dma_wait3A_95 = arith.constant 0 : i32
      %dma_wait3A_96 = tpu.memref_slice %arg5[%scan3A_40, %add3A_94, %dma_wait3A_95] : memref<77x1024x1024xf32, #tpu.memory_space<hbm>> -> memref<1x8x1024xf32, #tpu.memory_space<hbm>>
      %dma_wait3A_97 = tpu.memref_squeeze %dma_wait3A_96 : memref<1x8x1024xf32, #tpu.memory_space<hbm>> -> memref<8x1024xf32, #tpu.memory_space<hbm>>
      %dma_wait3A_98 = arith.constant 0 : i32
      %dma_wait3A_99 = tpu.memref_slice %arg5[%scan3A_40, %add3A_94, %dma_wait3A_98] : memref<77x1024x1024xf32, #tpu.memory_space<hbm>> -> memref<1x8x1024xf32, #tpu.memory_space<hbm>>
      %dma_wait3A_100 = tpu.memref_squeeze %dma_wait3A_99 : memref<1x8x1024xf32, #tpu.memory_space<hbm>> -> memref<8x1024xf32, #tpu.memory_space<hbm>>
      tpu.wait_dma2 semaphore(%arg16 : memref<!tpu.dma_semaphore, #tpu.memory_space<semaphore_mem>>) src(%arg8 : memref<8x1024xf32, #tpu.memory_space<vmem>>) dst(%dma_wait3A_100 : memref<8x1024xf32, #tpu.memory_space<hbm>>)
      %lt3A = arith.constant 76 : i32
      %lt3A_101 = arith.cmpi slt, %scan3A_40, %lt3A : i32
      %convert_element_type3A_102 = arith.extui %lt3A_101 : i1 to i32
      %cond3A_103 = arith.constant 0 : i32
      %cond3A_104 = arith.cmpi ne, %convert_element_type3A_102, %cond3A_103 : i32
      scf.if %cond3A_104 {
        %add3A_152 = arith.constant 1 : i32
        %add3A_153 = arith.addi %scan3A_40, %add3A_152 : i32
        %dma_start3A_154 = arith.constant 0 : i32
        %dma_start3A_155 = tpu.memref_slice %arg7[%add3A_153, %dma_start3A_154] : memref<77x32xi32, #tpu.memory_space<vmem>> -> memref<1x8xi32, #tpu.memory_space<vmem>>
        %dma_start3A_156 = tpu.memref_squeeze %dma_start3A_155 : memref<1x8xi32, #tpu.memory_space<vmem>> -> memref<8xi32, #tpu.memory_space<vmem>>
        %dma_start3A_157 = arith.constant 0 : i32
        %dma_start3A_158 = arith.constant 0 : i32
        %dma_start3A_159 = tpu.memref_slice %arg3[%dma_start3A_157, %dma_start3A_158] : memref<49408x1024xf32, #tpu.memory_space<hbm>> -> memref<49408x1024xf32, #tpu.memory_space<hbm>>
        tpu.enqueue_indirect_dma source(%dma_start3A_159 : memref<49408x1024xf32, #tpu.memory_space<hbm>>) target(%arg8 : memref<8x1024xf32, #tpu.memory_space<vmem>>) offsets(%dma_start3A_156 : memref<8xi32, #tpu.memory_space<vmem>>) semaphore(%arg12 : memref<!tpu.dma_semaphore, #tpu.memory_space<semaphore_mem>>)
      } else {
      }
      %dma_wait3A_105 = arith.constant 16 : i32
      %dma_wait3A_106 = tpu.memref_slice %arg7[%scan3A_40, %dma_wait3A_105] : memref<77x32xi32, #tpu.memory_space<vmem>> -> memref<1x8xi32, #tpu.memory_space<vmem>>
      %dma_wait3A_107 = tpu.memref_squeeze %dma_wait3A_106 : memref<1x8xi32, #tpu.memory_space<vmem>> -> memref<8xi32, #tpu.memory_space<vmem>>
      %dma_wait3A_108 = arith.constant 0 : i32
      %dma_wait3A_109 = arith.constant 0 : i32
      %dma_wait3A_110 = tpu.memref_slice %arg3[%dma_wait3A_108, %dma_wait3A_109] : memref<49408x1024xf32, #tpu.memory_space<hbm>> -> memref<49408x1024xf32, #tpu.memory_space<hbm>>
      tpu.wait_indirect_dma semaphore(%arg14 : memref<!tpu.dma_semaphore, #tpu.memory_space<semaphore_mem>>) src(%dma_wait3A_110 : memref<49408x1024xf32, #tpu.memory_space<hbm>>) dst(%arg10 : memref<8x1024xf32, #tpu.memory_space<vmem>>)
      %parallel_loop3A_111 = arith.constant 0 : i32
      %parallel_loop3A_112 = arith.constant 1 : i32
      %parallel_loop3A_113 = arith.constant 1 : i32
      scf.for %parallel_loop3A_152 = %parallel_loop3A_111 to %parallel_loop3A_112 step %parallel_loop3A_113  : i32 {
        %parallel_loop3A_153 = arith.constant 16 : i32
        %parallel_loop3A_154 = arith.muli %parallel_loop3A_152, %parallel_loop3A_153 : i32
        %parallel_loop3A_155 = arith.index_cast %scan3A_40 : i32 to index
        %parallel_loop3A_156 = arith.index_cast %parallel_loop3A_154 : i32 to index
        %parallel_loop3A_157 = tpu.vector_load %arg6[%parallel_loop3A_155, %parallel_loop3A_156] {strides = array<i32>} : memref<77x1024xf32, #tpu.memory_space<vmem>>, vector<1x16xf32>,
        %parallel_loop3A_158 = vector.shape_cast %parallel_loop3A_157 : vector<1x16xf32> to vector<16xf32>
        %parallel_loop3A_159 = arith.constant 0 : i32
        %parallel_loop3A_160 = arith.index_cast %parallel_loop3A_159 : i32 to index
        %parallel_loop3A_161 = arith.index_cast %parallel_loop3A_154 : i32 to index
        %parallel_loop3A_162 = tpu.vector_load %arg10[%parallel_loop3A_160, %parallel_loop3A_161] {strides = array<i32>} : memref<8x1024xf32, #tpu.memory_space<vmem>>, vector<1x16xf32>,
        %parallel_loop3A_163 = vector.shape_cast %parallel_loop3A_162 : vector<1x16xf32> to vector<16xf32>
        %parallel_loop3A_164 = vector.shape_cast %parallel_loop3A_158 : vector<16xf32> to vector<1x16xf32>
        tpu.vector_store %arg10[%parallel_loop3A_160, %parallel_loop3A_161], %parallel_loop3A_164 {add = true, strides = array<i32>} : memref<8x1024xf32, #tpu.memory_space<vmem>>, vector<1x16xf32>,
      } {sc.loop_unroll_factor = 1 : i64, sc.parallel_access}
      %add3A_114 = arith.constant 16 : i32
      %add3A_115 = arith.addi %mul3A_4, %add3A_114 : i32
      %dma_start3A_116 = arith.constant 0 : i32
      %dma_start3A_117 = tpu.memref_slice %arg5[%scan3A_40, %add3A_115, %dma_start3A_116] : memref<77x1024x1024xf32, #tpu.memory_space<hbm>> -> memref<1x8x1024xf32, #tpu.memory_space<hbm>>
      %dma_start3A_118 = tpu.memref_squeeze %dma_start3A_117 : memref<1x8x1024xf32, #tpu.memory_space<hbm>> -> memref<8x1024xf32, #tpu.memory_space<hbm>>
      %dma_start3A_119 = arith.constant 0 : i32
      %dma_start3A_120 = tpu.memref_slice %arg5[%scan3A_40, %add3A_115, %dma_start3A_119] : memref<77x1024x1024xf32, #tpu.memory_space<hbm>> -> memref<1x8x1024xf32, #tpu.memory_space<hbm>>
      %dma_start3A_121 = tpu.memref_squeeze %dma_start3A_120 : memref<1x8x1024xf32, #tpu.memory_space<hbm>> -> memref<8x1024xf32, #tpu.memory_space<hbm>>
      tpu.enqueue_dma source(%arg10 : memref<8x1024xf32, #tpu.memory_space<vmem>>) target(%dma_start3A_121 : memref<8x1024xf32, #tpu.memory_space<hbm>>) target_semaphore(%arg18 : memref<!tpu.dma_semaphore, #tpu.memory_space<semaphore_mem>>)
      %add3A_122 = arith.constant 8 : i32
      %add3A_123 = arith.addi %mul3A_4, %add3A_122 : i32
      %dma_wait3A_124 = arith.constant 0 : i32
      %dma_wait3A_125 = tpu.memref_slice %arg5[%scan3A_40, %add3A_123, %dma_wait3A_124] : memref<77x1024x1024xf32, #tpu.memory_space<hbm>> -> memref<1x8x1024xf32, #tpu.memory_space<hbm>>
      %dma_wait3A_126 = tpu.memref_squeeze %dma_wait3A_125 : memref<1x8x1024xf32, #tpu.memory_space<hbm>> -> memref<8x1024xf32, #tpu.memory_space<hbm>>
      %dma_wait3A_127 = arith.constant 0 : i32
      %dma_wait3A_128 = tpu.memref_slice %arg5[%scan3A_40, %add3A_123, %dma_wait3A_127] : memref<77x1024x1024xf32, #tpu.memory_space<hbm>> -> memref<1x8x1024xf32, #tpu.memory_space<hbm>>
      %dma_wait3A_129 = tpu.memref_squeeze %dma_wait3A_128 : memref<1x8x1024xf32, #tpu.memory_space<hbm>> -> memref<8x1024xf32, #tpu.memory_space<hbm>>
      tpu.wait_dma2 semaphore(%arg17 : memref<!tpu.dma_semaphore, #tpu.memory_space<semaphore_mem>>) src(%arg9 : memref<8x1024xf32, #tpu.memory_space<vmem>>) dst(%dma_wait3A_129 : memref<8x1024xf32, #tpu.memory_space<hbm>>)
      %lt3A_130 = arith.constant 76 : i32
      %lt3A_131 = arith.cmpi slt, %scan3A_40, %lt3A_130 : i32
      %convert_element_type3A_132 = arith.extui %lt3A_131 : i1 to i32
      %cond3A_133 = arith.constant 0 : i32
      %cond3A_134 = arith.cmpi ne, %convert_element_type3A_132, %cond3A_133 : i32
      scf.if %cond3A_134 {
        %add3A_152 = arith.constant 1 : i32
        %add3A_153 = arith.addi %scan3A_40, %add3A_152 : i32
        %dma_start3A_154 = arith.constant 8 : i32
        %dma_start3A_155 = tpu.memref_slice %arg7[%add3A_153, %dma_start3A_154] : memref<77x32xi32, #tpu.memory_space<vmem>> -> memref<1x8xi32, #tpu.memory_space<vmem>>
        %dma_start3A_156 = tpu.memref_squeeze %dma_start3A_155 : memref<1x8xi32, #tpu.memory_space<vmem>> -> memref<8xi32, #tpu.memory_space<vmem>>
        %dma_start3A_157 = arith.constant 0 : i32
        %dma_start3A_158 = arith.constant 0 : i32
        %dma_start3A_159 = tpu.memref_slice %arg3[%dma_start3A_157, %dma_start3A_158] : memref<49408x1024xf32, #tpu.memory_space<hbm>> -> memref<49408x1024xf32, #tpu.memory_space<hbm>>
        tpu.enqueue_indirect_dma source(%dma_start3A_159 : memref<49408x1024xf32, #tpu.memory_space<hbm>>) target(%arg9 : memref<8x1024xf32, #tpu.memory_space<vmem>>) offsets(%dma_start3A_156 : memref<8xi32, #tpu.memory_space<vmem>>) semaphore(%arg13 : memref<!tpu.dma_semaphore, #tpu.memory_space<semaphore_mem>>)
      } else {
      }
      %dma_wait3A_135 = arith.constant 24 : i32
      %dma_wait3A_136 = tpu.memref_slice %arg7[%scan3A_40, %dma_wait3A_135] : memref<77x32xi32, #tpu.memory_space<vmem>> -> memref<1x8xi32, #tpu.memory_space<vmem>>
      %dma_wait3A_137 = tpu.memref_squeeze %dma_wait3A_136 : memref<1x8xi32, #tpu.memory_space<vmem>> -> memref<8xi32, #tpu.memory_space<vmem>>
      %dma_wait3A_138 = arith.constant 0 : i32
      %dma_wait3A_139 = arith.constant 0 : i32
      %dma_wait3A_140 = tpu.memref_slice %arg3[%dma_wait3A_138, %dma_wait3A_139] : memref<49408x1024xf32, #tpu.memory_space<hbm>> -> memref<49408x1024xf32, #tpu.memory_space<hbm>>
      tpu.wait_indirect_dma semaphore(%arg15 : memref<!tpu.dma_semaphore, #tpu.memory_space<semaphore_mem>>) src(%dma_wait3A_140 : memref<49408x1024xf32, #tpu.memory_space<hbm>>) dst(%arg11 : memref<8x1024xf32, #tpu.memory_space<vmem>>)
      %parallel_loop3A_141 = arith.constant 0 : i32
      %parallel_loop3A_142 = arith.constant 1 : i32
      %parallel_loop3A_143 = arith.constant 1 : i32
      scf.for %parallel_loop3A_152 = %parallel_loop3A_141 to %parallel_loop3A_142 step %parallel_loop3A_143  : i32 {
        %parallel_loop3A_153 = arith.constant 16 : i32
        %parallel_loop3A_154 = arith.muli %parallel_loop3A_152, %parallel_loop3A_153 : i32
        %parallel_loop3A_155 = arith.index_cast %scan3A_40 : i32 to index
        %parallel_loop3A_156 = arith.index_cast %parallel_loop3A_154 : i32 to index
        %parallel_loop3A_157 = tpu.vector_load %arg6[%parallel_loop3A_155, %parallel_loop3A_156] {strides = array<i32>} : memref<77x1024xf32, #tpu.memory_space<vmem>>, vector<1x16xf32>,
        %parallel_loop3A_158 = vector.shape_cast %parallel_loop3A_157 : vector<1x16xf32> to vector<16xf32>
        %parallel_loop3A_159 = arith.constant 0 : i32
        %parallel_loop3A_160 = arith.index_cast %parallel_loop3A_159 : i32 to index
        %parallel_loop3A_161 = arith.index_cast %parallel_loop3A_154 : i32 to index
        %parallel_loop3A_162 = tpu.vector_load %arg11[%parallel_loop3A_160, %parallel_loop3A_161] {strides = array<i32>} : memref<8x1024xf32, #tpu.memory_space<vmem>>, vector<1x16xf32>,
        %parallel_loop3A_163 = vector.shape_cast %parallel_loop3A_162 : vector<1x16xf32> to vector<16xf32>
        %parallel_loop3A_164 = vector.shape_cast %parallel_loop3A_158 : vector<16xf32> to vector<1x16xf32>
        tpu.vector_store %arg11[%parallel_loop3A_160, %parallel_loop3A_161], %parallel_loop3A_164 {add = true, strides = array<i32>} : memref<8x1024xf32, #tpu.memory_space<vmem>>, vector<1x16xf32>,
      } {sc.loop_unroll_factor = 1 : i64, sc.parallel_access}
      %add3A_144 = arith.constant 24 : i32
      %add3A_145 = arith.addi %mul3A_4, %add3A_144 : i32
      %dma_start3A_146 = arith.constant 0 : i32
      %dma_start3A_147 = tpu.memref_slice %arg5[%scan3A_40, %add3A_145, %dma_start3A_146] : memref<77x1024x1024xf32, #tpu.memory_space<hbm>> -> memref<1x8x1024xf32, #tpu.memory_space<hbm>>
      %dma_start3A_148 = tpu.memref_squeeze %dma_start3A_147 : memref<1x8x1024xf32, #tpu.memory_space<hbm>> -> memref<8x1024xf32, #tpu.memory_space<hbm>>
      %dma_start3A_149 = arith.constant 0 : i32
      %dma_start3A_150 = tpu.memref_slice %arg5[%scan3A_40, %add3A_145, %dma_start3A_149] : memref<77x1024x1024xf32, #tpu.memory_space<hbm>> -> memref<1x8x1024xf32, #tpu.memory_space<hbm>>
      %dma_start3A_151 = tpu.memref_squeeze %dma_start3A_150 : memref<1x8x1024xf32, #tpu.memory_space<hbm>> -> memref<8x1024xf32, #tpu.memory_space<hbm>>
      tpu.enqueue_dma source(%arg11 : memref<8x1024xf32, #tpu.memory_space<vmem>>) target(%dma_start3A_151 : memref<8x1024xf32, #tpu.memory_space<hbm>>) target_semaphore(%arg19 : memref<!tpu.dma_semaphore, #tpu.memory_space<semaphore_mem>>)
    }
    %scan3A_22 = arith.constant 77 : i32
    %add3A_23 = arith.constant 16 : i32
    %add3A_24 = arith.addi %mul3A_4, %add3A_23 : i32
    %dma_wait3A = arith.constant 76 : i32
    %dma_wait3A_25 = arith.constant 0 : i32
    %dma_wait3A_26 = tpu.memref_slice %arg5[%dma_wait3A, %add3A_24, %dma_wait3A_25] : memref<77x1024x1024xf32, #tpu.memory_space<hbm>> -> memref<1x8x1024xf32, #tpu.memory_space<hbm>>
    %dma_wait3A_27 = tpu.memref_squeeze %dma_wait3A_26 : memref<1x8x1024xf32, #tpu.memory_space<hbm>> -> memref<8x1024xf32, #tpu.memory_space<hbm>>
    %dma_wait3A_28 = arith.constant 0 : i32
    %dma_wait3A_29 = tpu.memref_slice %arg5[%dma_wait3A, %add3A_24, %dma_wait3A_28] : memref<77x1024x1024xf32, #tpu.memory_space<hbm>> -> memref<1x8x1024xf32, #tpu.memory_space<hbm>>
    %dma_wait3A_30 = tpu.memref_squeeze %dma_wait3A_29 : memref<1x8x1024xf32, #tpu.memory_space<hbm>> -> memref<8x1024xf32, #tpu.memory_space<hbm>>
    tpu.wait_dma2 semaphore(%arg18 : memref<!tpu.dma_semaphore, #tpu.memory_space<semaphore_mem>>) src(%arg10 : memref<8x1024xf32, #tpu.memory_space<vmem>>) dst(%dma_wait3A_30 : memref<8x1024xf32, #tpu.memory_space<hbm>>)
    %add3A_31 = arith.constant 24 : i32
    %add3A_32 = arith.addi %mul3A_4, %add3A_31 : i32
    %dma_wait3A_33 = arith.constant 76 : i32
    %dma_wait3A_34 = arith.constant 0 : i32
    %dma_wait3A_35 = tpu.memref_slice %arg5[%dma_wait3A_33, %add3A_32, %dma_wait3A_34] : memref<77x1024x1024xf32, #tpu.memory_space<hbm>> -> memref<1x8x1024xf32, #tpu.memory_space<hbm>>
    %dma_wait3A_36 = tpu.memref_squeeze %dma_wait3A_35 : memref<1x8x1024xf32, #tpu.memory_space<hbm>> -> memref<8x1024xf32, #tpu.memory_space<hbm>>
    %dma_wait3A_37 = arith.constant 0 : i32
    %dma_wait3A_38 = tpu.memref_slice %arg5[%dma_wait3A_33, %add3A_32, %dma_wait3A_37] : memref<77x1024x1024xf32, #tpu.memory_space<hbm>> -> memref<1x8x1024xf32, #tpu.memory_space<hbm>>
    %dma_wait3A_39 = tpu.memref_squeeze %dma_wait3A_38 : memref<1x8x1024xf32, #tpu.memory_space<hbm>> -> memref<8x1024xf32, #tpu.memory_space<hbm>>
    tpu.wait_dma2 semaphore(%arg19 : memref<!tpu.dma_semaphore, #tpu.memory_space<semaphore_mem>>) src(%arg11 : memref<8x1024xf32, #tpu.memory_space<vmem>>) dst(%dma_wait3A_39 : memref<8x1024xf32, #tpu.memory_space<hbm>>)
    return
  }
}

</mosaic_0001>

<sc_bundles>
// kernel: kernel.3.cloned.1.call-start
scs
__scs_entry_jumppad:
0x0: {  	(pc) =	sbr.rel $0x88, $3  }
0x1: {  	(tag) =	ssettag $0x0;
	lr =	simm.s32 $0x1  }
0x2: {  	[smem:$0x3F9E] =	sst lr;
	_ =	strace $0xD0000000  }
0x3: {  	_ = 	snop  }
0x4: {  	_ = 	snop  }
0x5: {  	_ = 	snop  }
0x6: {  	_ = 	snop  }
0x7: {  	_ = 	snop  }
__scs_overlays_trampoline_lowered:
0x8: {  	[smem:$0x3FAD] =	sst s0  }
0x9: {  	[smem:$0x3FAE] =	sst s1  }
0xa: {  	[smem:$0x3FAF] =	sst s2  }
0xb: {  	[smem:$0x3FB0] =	sst s3  }
0xc: {  	[smem:$0x3FB1] =	sst s4  }
0xd: {  	[smem:$0x3FB2] =	sst s5  }
0xe: {  	[smem:$0x3FB3] =	sst s6  }
0xf: {  	[smem:$0x3FB4] =	sst s7  }
0x10: {  	[smem:$0x3FB5] =	sst s8  }
0x11: {  	[smem:$0x3FB6] =	sst s9;
	s0 =	simm.s32 @!p0 $0x0  }
0x12: {  	s1 =	sld [smem:$0x3F9C];
	s0 =	simm.s32 @p0 $0x1  }
0x13: {  	[smem:$0x3FB7] =	sst s0;
	s0 =	simm.s32 @!p1 $0x0  }
0x14: {  	s2 =	sld [smem:$0x3F9B];
	s0 =	simm.s32 @p1 $0x1  }
0x15: {  	[smem:$0x3FB8] =	sst s0;
	s0 =	simm.s32 @!p2 $0x0  }
0x16: {  	s3 =	sld [smem:$0x3FDB];
	s0 =	simm.s32 @p2 $0x1  }
0x17: {  	s4 =	simm.s32 $0x1BF5;
	[smem:$0x3FBA] =	sst s0  }
0x18: {  	s0 =	sld [smem:$0x3F9D];
	_ =	swait.ge [sflag:s4], $0x0  }
0x19: {  	s7 =	sld [smem:$0x3F9E]  }
0x1a: {  	s8 =	sadd.s32 $0xFFFFE003, lr  }
0x1b: {  	s9 =	sadd.s32 $0xFFFFFEF7, lr;
	s5 =	simm.s32 $0xFFFFFFFF;
	p2 =	slt.u32 s8, $0xFFFFF086  }
0x1c: {  	p1 =	slt.u32 s9, $0xF7A;
	s5 =	simm.s32 @!p2 $0x0  }
0x1d: {  	s5 =	simm.s32 @p1 $0x1;
	p0 =	seq.s32 s7, s2  }
0x1e: {  	s7 =	smul.u32 @!p0 $0xF7A, s2;
	p2 =	seq.s32 @!p0 s5, $0x0  }
0x1f: {  	s9 =	smul.u32 $0xF7A, s1;
	s8 =	simm.s32 @!p0 $0x1BF5;
	p2 =	por !p2, p0  }
0x20: {  	[sflag:s8] =	ssyncset.s32 @!p0 $0xFFFFF086;
	s6 =	sadd.s32 @!p0 s3, s7;
	s7 =	simm.s32 @!p0 $0x108  }
0x21: {  	s3 =	sadd.s32 s3, s9;
	s6 =	sadd.s32 @!p0 $0x88, s6;
	s7 =	simm.s32 @p2 $0x1082  }
0x22: {  	[simem:s7], [sflag:s8] =	dma.local @!p0 [hbm:s6], $0xF7A  }
0x23: {  	s9 =	sor.u32 $0xD0000000, s2;
	s6 =	simm.s32 $0x108;
	_ =	swait.ge @!p0 [sflag:s8], $0x0  }
0x24: {  	s3 =	sadd.s32 $0x88, s3;
	s6 =	simm.s32 @!p1 $0x1082;
	[sflag:s4] =	ssyncset.s32 $0xFFFFF086  }
0x25: {  	[simem:s6], [sflag:s4] =	dma.local [hbm:s3], $0xF7A  }
0x26: {  	[smem:$0x3F9E] =	sst s1;
	(tag) =	ssettag s2;
	_ =	strace s9  }
0x27: {  	s1 =	sld [smem:$0x3FAE]  }
0x28: {  	s2 =	sld [smem:$0x3FAF]  }
0x29: {  	s4 =	sld [smem:$0x3FB1]  }
0x2a: {  	p0 =	seq.s32 s5, $0x0;
	s5 =	sld [smem:$0x3FB2]  }
0x2b: {  	s6 =	sld [smem:$0x3FB3]  }
0x2c: {  	s7 =	sld [smem:$0x3FB4]  }
0x2d: {  	s3 =	simm.s32 $0x108;
	s8 =	sld [smem:$0x3FB5]  }
0x2e: {  	s3 =	simm.s32 @!p0 $0x1082;
	s9 =	sld [smem:$0x3FB6]  }
0x2f: {  	lr =	sadd.s32 s0, s3;
	s0 =	sld [smem:$0x3FAD]  }
0x30: {  	s3 =	sld [smem:$0x3FB0]  }
0x31: {  	[smem:$0x3FB9] =	sst s10  }
0x32: {  	s10 =	sld [smem:$0x3FB7];
	_ =	sdelay $0x3  }
0x33: {  	p0 =	seq.s32 s10, $0x1;
	s10 =	sld [smem:$0x3FB9];
	_ =	sdelay $0x3  }
0x34: {  	[smem:$0x3FB9] =	sst s10  }
0x35: {  	s10 =	sld [smem:$0x3FB8];
	_ =	sdelay $0x3  }
0x36: {  	p1 =	seq.s32 s10, $0x1;
	s10 =	sld [smem:$0x3FB9];
	_ =	sdelay $0x3  }
0x37: {  	[smem:$0x3FB9] =	sst s10  }
0x38: {  	s10 =	sld [smem:$0x3FBA]  }
0x39: {  	_ = 	snop;
	(pc) =	sbr.ind lr, $3  }
0x3a: {  	_ = 	snop  }
0x3b: {  	_ = 	snop  }
0x3c: {  	p2 =	seq.s32 s10, $0x1;
	s10 =	sld [smem:$0x3FB9]  }
0x3d: {  	_ =	shalt  }
0x3e: {  	_ =	shalt  }
0x3f: {  	_ =	shalt  }
0x40: {  	_ =	shalt  }
0x41: {  	_ =	shalt  }
0x42: {  	_ =	shalt  }
0x43: {  	_ =	shalt  }
0x44: {  	_ =	shalt  }
0x45: {  	_ =	shalt  }
0x46: {  	_ =	shalt  }
0x47: {  	_ =	shalt  }
0x48: {  	_ =	shalt  }
0x49: {  	_ =	shalt  }
0x4a: {  	_ =	shalt  }
0x4b: {  	_ =	shalt  }
0x4c: {  	_ =	shalt  }
0x4d: {  	_ =	shalt  }
0x4e: {  	_ =	shalt  }
0x4f: {  	_ =	shalt  }
0x50: {  	_ =	shalt  }
0x51: {  	_ =	shalt  }
0x52: {  	_ =	shalt  }
0x53: {  	_ =	shalt  }
0x54: {  	_ =	shalt  }
0x55: {  	_ =	shalt  }
0x56: {  	_ =	shalt  }
0x57: {  	_ =	shalt  }
0x58: {  	_ =	shalt  }
0x59: {  	_ =	shalt  }
0x5a: {  	_ =	shalt  }
0x5b: {  	_ =	shalt  }
0x5c: {  	_ =	shalt  }
0x5d: {  	_ =	shalt  }
0x5e: {  	_ =	shalt  }
0x5f: {  	_ =	shalt  }
0x60: {  	_ =	shalt  }
0x61: {  	_ =	shalt  }
0x62: {  	_ =	shalt  }
0x63: {  	_ =	shalt  }
0x64: {  	_ =	shalt  }
0x65: {  	_ =	shalt  }
0x66: {  	_ =	shalt  }
0x67: {  	_ =	shalt  }
0x68: {  	_ =	shalt  }
0x69: {  	_ =	shalt  }
0x6a: {  	_ =	shalt  }
0x6b: {  	_ =	shalt  }
0x6c: {  	_ =	shalt  }
0x6d: {  	_ =	shalt  }
0x6e: {  	_ =	shalt  }
0x6f: {  	_ =	shalt  }
0x70: {  	_ =	shalt  }
0x71: {  	_ =	shalt  }
0x72: {  	_ =	shalt  }
0x73: {  	_ =	shalt  }
0x74: {  	_ =	shalt  }
0x75: {  	_ =	shalt  }
0x76: {  	_ =	shalt  }
0x77: {  	_ =	shalt  }
0x78: {  	_ =	shalt  }
0x79: {  	_ =	shalt  }
0x7a: {  	_ =	shalt  }
0x7b: {  	_ =	shalt  }
0x7c: {  	_ =	shalt  }
0x7d: {  	_ =	shalt  }
0x7e: {  	_ =	shalt  }
0x7f: {  	_ =	shalt  }
0x80: {  	_ =	shalt  }
0x81: {  	_ =	shalt  }
0x82: {  	_ =	shalt  }
0x83: {  	_ =	shalt  }
0x84: {  	_ =	shalt  }
0x85: {  	_ =	shalt  }
0x86: {  	_ =	shalt  }
0x87: {  	_ =	shalt  }
.Lfunc_end0:
.L_simem_size_0:
called_computation_lowered:
.L_overlay_start_0:
0x88: {  	s2 =	sld [smem:$0x3FD9]  }
0x89: {  	s3 =	sld [smem:$0x3FFE];
	_ =	sdelay $0x1  }
0x8a: {  	s1 =	srdreg.scid  }
0x8b: {  	s0 =	sand.u32 $0x1, s1  }
0x8c: {  	s17 =	sshll.u32 s0, $0xA;
	s2 =	sadd.s32 s3, s2  }
0x8d: {  	s2 =	sadd.s32 s2, s17  }
0x8e: {  	[smem:$0x3FC5] =	sst s2  }
0x8f: {  	_ = 	snop  }
0x90: {  	s2 =	sld [smem:$0x3FC8]  }
0x91: {  	s18 =	sld [smem:$0x3FC7]  }
0x92: {  	s4 =	sld [smem:$0x3FD0];
	(tm) =	ssettm $0x1  }
0x93: {  	s5 =	sld [smem:$0x3FFB];
	_ =	sdelay $0x3  }
0x94: {  	_ =	strace s5  }
0x95: {  	s5 =	sld [smem:$0x3FFC];
	_ =	sdelay $0x3  }
0x96: {  	_ =	strace s5  }
0x97: {  	s5 =	sld [smem:$0x3FFD];
	_ =	sdelay $0x3  }
0x98: {  	_ =	strace s5  }
0x99: {  	_ =	strace $0x8FFFFFFF  }
0x9a: {  	s19 =	sld [smem:$0x3FDB];
	_ =	sdelay $0x1  }
0x9b: {  	s6 =	simm.s32 $_scs_section_size  }
0x9c: {  	s7 =	simm.s32 $_size__tile_overlayer_lowered;
	s8 =	simm.s32 $_tile_overlayer_lowered  }
0x9d: {  	s22 =	simm.s32 $0x1BFF;
	s21 =	sshll.u32 s8, $0x1;
	s5 =	sadd.s32 s6, s19  }
0x9e: {  	s9 =	simm.s32 $0x0;
	s20 =	sshll.u32 s7, $0x1;
	s7 =	sadd.s32 s21, s5  }
0x9f: {  	[timem:s9], [sflag:s22] =	dma.local [hbm:s7], s20  }
0xa0: {  	_ =	swait.ge [sflag:s22], s20  }
0xa1: {  	s6 =	ssub.s32 $0x0, s20;
	[sflag:s22] =	ssyncset.done $0x0  }
0xa2: {  	[sflag:s22] =	ssyncadd.s32 s6;
	_ =	sdelay $0x1  }
0xa3: {  	s23 =	simm.s32 $0x1B8B  }
0xa4: {  	_ =	swait.ge [sflag:s23], $0x1  }
0xa5: {  	[sflag:s23] =	ssyncset.done $0x0  }
0xa6: {  	s25 =	simm.s32 $0x1B8E;
	s24 =	sld [smem:$0x3FFE];
	[sflag:s23] =	ssyncadd.s32 $0xFFFFFFFF  }
0xa7: {  	s26 =	simm.s32 $execute0_lowered;
	[smem:$0x3FD2] =	sst s25  }
0xa8: {  	s7 =	sshll.u32 s26, $0x1;
	_ =	strace $0x80000046;
	[dreg:$0x1] =	wrdreg $0xFFFFFFFF  }
0xa9: {  	s28 =	simm.s32 $_size_execute0_lowered;
	s5 =	sadd.s32 s5, s7;
	[dreg:$0x0] =	wrdreg $0x0  }
0xaa: {  	s7 =	sshll.u32 s28, $0x1;
	[dreg:$0x2] =	wrdreg s5  }
0xab: {  	[dreg:$0x3] =	wrdreg s7  }
0xac: {  	[dreg:$0x4] =	wrdreg $0xC0  }
0xad: {  	_ =	task [dreg:s9], $0x5FFFF  }
0xae: {  	[dreg:$0x1] =	wrdreg $0xFFFFFFFF  }
0xaf: {  	[dreg:$0x0] =	wrdreg $0x60  }
0xb0: {  	[dreg:$0x2] =	wrdreg s24  }
0xb1: {  	[dreg:$0x3] =	wrdreg s2  }
0xb2: {  	[dreg:$0x4] =	wrdreg s18  }
0xb3: {  	[dreg:$0x5] =	wrdreg s4  }
0xb4: {  	[dreg:$0x6] =	wrdreg $0x9  }
0xb5: {  	_ =	task.clear_ibuf [dreg:s9], $0x7FFFF;
	_ =	strace $0x90000046  }
0xb6: {  	s29 =	simm.s32 $0x9;
	_ =	strace $0x80000048  }
0xb7: {  	_ =	swait.ge [sflag:s29], $0x1  }
0xb8: {  	[sflag:s29] =	ssyncadd.s32 $0xFFFFFFFF  }
0xb9: {  	_ =	strace $0x90000048  }
0xba: {  	_ =	sfence  }
0xbb: {  	s30 =	sld [smem:$0x0];
	_ =	sdelay $0x2  }
0xbc: {  	s31 =	sshll.u32 s1, $0xD;
	s1 =	sshrl.u32 s1, $0x2  }
0xbd: {  	s3 =	sand.u32 $0x4000, s31;
	s1 =	sadd.s32 s1, s30  }
0xbe: {  	s0 =	sor.u32 s3, s0;
	s1 =	sshll.u32 s1, $0x11  }
0xbf: {  	s0 =	sor.u32 s1, s0  }
0xc0: {  	s0 =	sadd.s32 $0x8F2B, s0  }
0xc1: {  	[sflag:s0] =	ssyncadd.remote.s32 $0x1  }
0xc2: {  	_ =	sfence.sel $0xFFFF  }
0xc3: {  	[dreg:$0x0] =	wrdreg $0xFFFFFFFF;
	(pc) =	sbr.abs _section_cstart, $3  }
0xc4: {  	[dreg:$0x1] =	wrdreg $0xFFFFFFFF  }
0xc5: {  	_ =	task.clear_ibuf [dreg:s9], $0x2FFFF;
	_ =	strace $0x9FFFFFFF  }
0xc6: {  	(tm) =	ssettm $0x7FFFFFFF  }
0xc7: {  	_ =	shalt  }
tec
execute0_lowered:
.L_overlay_start_1:
0x0: {  	(tag) =	ssettag $0x1  }
0x1: {  	s0 =	rddreg [dreg:$0x0]  }
0x2: {  	s1 =	rddreg [dreg:$0x1]  }
0x3: {  	s2 =	rddreg [dreg:$0x3]  }
0x4: {  	s3 =	srdreg.scid;
	s7 =	stileid.u32  }
0x5: {  	s4 =	simm.s32 $0x0;
	s10 =	simm.s32 $0x9;
	s12 =	simm.s32 $0x16800  }
0x6: {  	s21 =	simm.s32 $0x1B000;
	s22 =	simm.s32 $0x1B800;
	s23 =	simm.s32 $0x1C000  }
0x7: {  	s24 =	simm.s32 $0x1D000;
	s25 =	simm.s32 $0x1D800;
	s26 =	simm.s32 $0x1E000  }
0x8: {  	s28 =	simm.s32 $0x4;
	s29 =	simm.s32 $0x7;
	[smem:$0x7FF] =	sst s4  }
0x9: {  	s30 =	simm.s32 $0x8;
	_ =	strace $0x80000047;
	[dreg:$0x9] =	wrdreg s21  }
0xa: {  	s31 =	simm.s32 $0x0;
	s3 =	sand.u32 $0x1, s3;
	[dreg:$0xa] =	wrdreg s22  }
0xb: {  	s5 =	sshll.u32 s7, $0x1;
	s7 =	sshll.u32 s7, $0x10;
	[dreg:$0xb] =	wrdreg s23  }
0xc: {  	s5 =	sor.u32 s3, s5;
	s6 =	ssub.s32 $0x2, s3;
	[dreg:$0xc] =	wrdreg s24  }
0xd: {  	s3 =	sshll.u32 s3, $0xF;
	s21 =	simm.s32 $0x1;
	[dreg:$0xd] =	wrdreg s25  }
0xe: {  	s22 =	simm.s32 $0x1C800;
	[dreg:$0xe] =	wrdreg s26;
	s23 =	simm.s32 $0x2  }
0xf: {  	s24 =	simm.s32 $0x5;
	s25 =	simm.s32 $0x3;
	s26 =	simm.s32 $0x6  }
0x10: {  	s5 =	smul.u32 $0x500, s5;
	s15 =	sshrl.u32 s6, $0x1;
	s3 =	sor.u32 s3, s7  }
0x11: {  	s9 =	ssub.s32 s6, s15;
	s16 =	sor.u32 $0x6000, s3;
	s6 =	sadd.s32 $0x100, s1  }
0x12: {  	s7 =	sor.u32 $0x4000, s3;
	s8 =	sor.u32 $0x2000, s3;
	s3 =	sshrl.u32 s3, $0x3  }
0x13: {  	s0 =	sadd.s32 s5, s0;
	s7 =	sshrl.u32 s7, $0x3;
	s18 =	sshrl.u32 s8, $0x3  }
0x14: {  	s20 =	sadd.s32 s3, s2;
	s8 =	sadd.s32 $0x300, s1;
	s9 =	smax.u32 s9, $0x1  }
0x15: {  	s5 =	sadd.s32 $0x400, s0;
	s0 =	sshrl.u32 s16, $0x3;
	s17 =	sadd.s32 s7, s2  }
0x16: {  	s19 =	sadd.s32 s18, s2;
	s7 =	sadd.s32 $0x200, s1;
	[dreg:$0x8] =	wrdreg s20  }
0x17: {  	v0 =	vlaneseq.u32;
	s16 =	simm.s32 $0x18800;
	s18 =	simm.s32 $0x19800;
	[dreg:$0x6] =	wrdreg s17  }
0x18: {  	v1 =	vshrl.u32 v0, $0x3;
	s20 =	simm.s32 $0x1A800;
	s0 =	sadd.s32 s0, s2;
	[dreg:$0x7] =	wrdreg s19  }
0x19: {  	vm0 =	vmmov $0xffff;
	v0 =	vand.u32 $0x7, v0;
	v1 =	vmul.u32 $0x8, v1;
	s17 =	simm.s32 $0x19000;
	s19 =	simm.s32 $0x1A000;
	[dreg:$0x5] =	wrdreg s0  }
.LBB2_1:
0x1a: {  	s0 =	rddreg [dreg:$0x2]  }
0x1b: {  	[tilespmem:s4], [sflag:$0x9] =	stream.linear.gather [hbm4b:s0+s4], $0x14000, $0x38;
	[tilespmem:$0x1E800] =	vst v63  }
0x1c: {  	_ =	swait.ge [sflag:s10], $0x14000  }
0x1d: {  	[sflag:s10] =	ssyncset.done $0x0  }
0x1e: {  	s11 =	simm.s32 $0x14000;
	[sflag:s10] =	ssyncadd.s32 $0xFFFEC000  }
0x1f: {  	[tilespmem:s11], [sflag:$0x9] =	stream.linear.gather [hbm4b:s5+s4], $0x2680, $0x38;
	[tilespmem:$0x1E800] =	vst v63  }
0x20: {  	_ =	swait.ge [sflag:s10], $0x2680  }
0x21: {  	[sflag:s10] =	ssyncset.done $0x0  }
0x22: {  	[sflag:s10] =	ssyncadd.s32 $0xFFFFD980  }
0x23: {  	v2 =	vld.msk [tilespmem:$0x14000], $0xff;
	_ =	sdelay $0x4  }
0x24: {  	v3 =	vshll.u32 v2, $0x3  }
0x25: {  	v2 =	vand.u32 $0x7, v2;
	v3 =	vand.u32 $0xFFFFFFC0, v3  }
0x26: {  	v2 =	vor.u32 v2, v3  }
0x27: {  	v2 =	vperm.xlane v2, v0;
	_ =	sdelay $0x1  }
0x28: {  	v2 =	vadd.s32 v1, v2;
	_ =	sdelay $0x4  }
0x29: {  	[tilespmem:s12], [sflag:$0x1] =	stream.indirect_vreg.gather [hbm4b:s1+s4], $0x80, v2, vm0, $0xb8;
	[tilespmem:$0x1E800] =	vst v63  }
0x2a: {  	s13 =	simm.s32 $0x17000  }
0x2b: {  	[tilespmem:s13], [sflag:$0x1] =	stream.indirect_vreg.gather [hbm4b:s6+s4], $0x80, v2, vm0, $0xb8;
	[tilespmem:$0x1E800] =	vst v63  }
0x2c: {  	s14 =	simm.s32 $0x17800  }
0x2d: {  	[tilespmem:s14], [sflag:$0x1] =	stream.indirect_vreg.gather [hbm4b:s7+s4], $0x80, v2, vm0, $0xb8;
	[tilespmem:$0x1E800] =	vst v63  }
0x2e: {  	s15 =	simm.s32 $0x18000  }
0x2f: {  	[tilespmem:s15], [sflag:$0x1] =	stream.indirect_vreg.gather [hbm4b:s8+s4], $0x80, v2, vm0, $0xb8;
	[tilespmem:$0x1E800] =	vst v63  }
0x30: {  	v2 =	vld.msk [tilespmem:$0x14008], $0xff;
	_ =	sdelay $0x4  }
0x31: {  	v3 =	vshll.u32 v2, $0x3  }
0x32: {  	v2 =	vand.u32 $0x7, v2;
	v3 =	vand.u32 $0xFFFFFFC0, v3  }
0x33: {  	v2 =	vor.u32 v2, v3  }
0x34: {  	v2 =	vperm.xlane v2, v0;
	_ =	sdelay $0x1  }
0x35: {  	v2 =	vadd.s32 v1, v2;
	_ =	sdelay $0x4  }
0x36: {  	[tilespmem:s16], [sflag:$0x2] =	stream.indirect_vreg.gather [hbm4b:s1+s4], $0x80, v2, vm0, $0xb8;
	[tilespmem:$0x1E800] =	vst v63  }
0x37: {  	_ = 	snop  }
0x38: {  	[tilespmem:s17], [sflag:$0x2] =	stream.indirect_vreg.gather [hbm4b:s6+s4], $0x80, v2, vm0, $0xb8;
	[tilespmem:$0x1E800] =	vst v63  }
0x39: {  	s2 =	simm.s32 $0x0  }
0x3a: {  	[tilespmem:s18], [sflag:$0x2] =	stream.indirect_vreg.gather [hbm4b:s7+s4], $0x80, v2, vm0, $0xb8;
	[tilespmem:$0x1E800] =	vst v63  }
0x3b: {  	s3 =	simm.s32 $0x0;
	s0 =	simm.s32 $0x14088;
	s11 =	simm.s32 $0x0  }
0x3c: {  	[tilespmem:s19], [sflag:$0x2] =	stream.indirect_vreg.gather [hbm4b:s8+s4], $0x80, v2, vm0, $0xb8;
	[tilespmem:$0x1E800] =	vst v63  }
.LBB2_2:
0x3d: {  	p0 =	seq.s32 s11, $0x0  }
0x3e: {  	s13 =	simm.s32 @!p0 $0x7  }
0x3f: {  	_ =	swait.ge @!p0 [sflag:s13], $0x2000  }
0x40: {  	[sflag:s13] =	ssyncset.done @!p0 $0x0  }
0x41: {  	[sflag:s13] =	ssyncadd.s32 @!p0 $0xFFFFE000  }
0x42: {  	v2 =	vld.msk [tilespmem:s0+$0xFFFFFF88], $0xff;
	_ =	sdelay $0x4  }
0x43: {  	v3 =	vshll.u32 v2, $0x3  }
0x44: {  	v2 =	vand.u32 $0x7, v2;
	v3 =	vand.u32 $0xFFFFFFC0, v3  }
0x45: {  	v2 =	vor.u32 v2, v3  }
0x46: {  	v2 =	vperm.xlane v2, v0;
	_ =	sdelay $0x1  }
0x47: {  	v2 =	vadd.s32 v1, v2;
	_ =	sdelay $0x4  }
0x48: {  	[tilespmem:s20], [sflag:$0x3] =	stream.indirect_vreg.gather [hbm4b:s1+s4], $0x80, v2, vm0, $0xb8;
	[tilespmem:$0x1E800] =	vst v63  }
0x49: {  	s15 =	rddreg [dreg:$0x9]  }
0x4a: {  	[tilespmem:s15], [sflag:$0x3] =	stream.indirect_vreg.gather [hbm4b:s6+s4], $0x80, v2, vm0, $0xb8;
	[tilespmem:$0x1E800] =	vst v63  }
0x4b: {  	s14 =	rddreg [dreg:$0xa]  }
0x4c: {  	[tilespmem:s14], [sflag:$0x3] =	stream.indirect_vreg.gather [hbm4b:s7+s4], $0x80, v2, vm0, $0xb8;
	[tilespmem:$0x1E800] =	vst v63  }
0x4d: {  	s15 =	rddreg [dreg:$0xb]  }
0x4e: {  	[tilespmem:s15], [sflag:$0x3] =	stream.indirect_vreg.gather [hbm4b:s8+s4], $0x80, v2, vm0, $0xb8;
	[tilespmem:$0x1E800] =	vst v63  }
0x4f: {  	_ =	swait.ge [sflag:s21], $0x2000  }
0x50: {  	s14 =	sand.u32 $0x1E000, s3;
	s15 =	sand.u32 $0x380, s2;
	[sflag:s21] =	ssyncset.done $0x0  }
0x51: {  	s13 =	sor.u32 s15, s14;
	[sflag:s21] =	ssyncadd.s32 $0xFFFFE000  }
0x52: {  	v2 =	vld [tilespmem:s13+$0x0];
	_ =	sdelay $0x3  }
0x53: {  	s15 =	rddreg [dreg:$0x8]  }
0x54: {  	s14 =	sadd.s32 s11, s15;
	[tilespmem:s12+$0x0] =	vst.add.f32.msk $0xffff, v2  }
0x55: {  	[hbm4b:s14+s4] =	stream.linear.scatter [tilespmem:s12], [sflag:$0x5], $0x2000, $0x38;
	[tilespmem:$0x1E800] =	vst v63  }
0x56: {  	s14 =	simm.s32 @!p0 $0x8  }
0x57: {  	_ =	swait.ge @!p0 [sflag:s14], $0x2000  }
0x58: {  	[sflag:s14] =	ssyncset.done @!p0 $0x0  }
0x59: {  	[sflag:s14] =	ssyncadd.s32 @!p0 $0xFFFFE000  }
0x5a: {  	v2 =	vld.msk [tilespmem:s0+$0xFFFFFF90], $0xff;
	_ =	sdelay $0x4  }
0x5b: {  	v3 =	vshll.u32 v2, $0x3  }
0x5c: {  	v2 =	vand.u32 $0x7, v2;
	v3 =	vand.u32 $0xFFFFFFC0, v3  }
0x5d: {  	v2 =	vor.u32 v2, v3  }
0x5e: {  	v2 =	vperm.xlane v2, v0;
	_ =	sdelay $0x1  }
0x5f: {  	v2 =	vadd.s32 v1, v2;
	_ =	sdelay $0x4  }
0x60: {  	[tilespmem:s22], [sflag:$0x4] =	stream.indirect_vreg.gather [hbm4b:s1+s4], $0x80, v2, vm0, $0xb8;
	[tilespmem:$0x1E800] =	vst v63  }
0x61: {  	s14 =	rddreg [dreg:$0xc]  }
0x62: {  	[tilespmem:s14], [sflag:$0x4] =	stream.indirect_vreg.gather [hbm4b:s6+s4], $0x80, v2, vm0, $0xb8;
	[tilespmem:$0x1E800] =	vst v63  }
0x63: {  	s15 =	rddreg [dreg:$0xd]  }
0x64: {  	[tilespmem:s15], [sflag:$0x4] =	stream.indirect_vreg.gather [hbm4b:s7+s4], $0x80, v2, vm0, $0xb8;
	[tilespmem:$0x1E800] =	vst v63  }
0x65: {  	s14 =	rddreg [dreg:$0xe]  }
0x66: {  	[tilespmem:s14], [sflag:$0x4] =	stream.indirect_vreg.gather [hbm4b:s8+s4], $0x80, v2, vm0, $0xb8;
	[tilespmem:$0x1E800] =	vst v63  }
0x67: {  	_ =	swait.ge [sflag:s23], $0x2000  }
0x68: {  	[sflag:s23] =	ssyncset.done $0x0  }
0x69: {  	[sflag:s23] =	ssyncadd.s32 $0xFFFFE000  }
0x6a: {  	v2 =	vld [tilespmem:s13+$0x0];
	_ =	sdelay $0x3  }
0x6b: {  	s15 =	rddreg [dreg:$0x7]  }
0x6c: {  	s14 =	sadd.s32 s11, s15;
	[tilespmem:s16+$0x0] =	vst.add.f32.msk $0xffff, v2  }
0x6d: {  	[hbm4b:s14+s4] =	stream.linear.scatter [tilespmem:s16], [sflag:$0x6], $0x2000, $0x38;
	[tilespmem:$0x1E800] =	vst v63  }
0x6e: {  	_ =	swait.ge [sflag:s24], $0x2000  }
0x6f: {  	[sflag:s24] =	ssyncset.done $0x0  }
0x70: {  	p0 =	seq.s32 s11, $0x980000;
	[sflag:s24] =	ssyncadd.s32 $0xFFFFE000  }
0x71: {  	v2 =	vld.msk @!p0 [tilespmem:s0+$0xFFFFFFF8], $0xff;
	_ =	sdelay $0x4  }
0x72: {  	v3 =	vshll.u32 @!p0 v2, $0x3  }
0x73: {  	v4 =	vlaneseq.u32 @!p0;
	v2 =	vand.u32 @!p0 $0x7, v2;
	v3 =	vand.u32 @!p0 $0xFFFFFFC0, v3  }
0x74: {  	v2 =	vor.u32 @!p0 v2, v3;
	v3 =	vand.u32 @!p0 $0x7, v4;
	v4 =	vshrl.u32 @!p0 v4, $0x3  }
0x75: {  	v2 =	vperm.xlane @!p0 v2, v3;
	v4 =	vmul.u32 @!p0 $0x8, v4;
	_ =	sdelay $0x1  }
0x76: {  	v2 =	vadd.s32 @!p0 v4, v2;
	_ =	sdelay $0x3  }
0x77: {  	vm1 =	vmmov @!p0 $0xffff;
	s15 =	simm.s32 @!p0 $0x16800;
	s14 =	simm.s32 @!p0 $0x0  }
0x78: {  	[tilespmem:s15], [sflag:$0x1] =	stream.indirect_vreg.gather @!p0 [hbm4b:s1+s14], $0x80, v2, vm1, $0xb8;
	[tilespmem:$0x1E800] =	vst v63  }
0x79: {  	s15 =	simm.s32 @!p0 $0x17000  }
0x7a: {  	[tilespmem:s15], [sflag:$0x1] =	stream.indirect_vreg.gather @!p0 [hbm4b:s6+s14], $0x80, v2, vm1, $0xb8;
	[tilespmem:$0x1E800] =	vst v63  }
0x7b: {  	s15 =	simm.s32 @!p0 $0x17800  }
0x7c: {  	[tilespmem:s15], [sflag:$0x1] =	stream.indirect_vreg.gather @!p0 [hbm4b:s7+s14], $0x80, v2, vm1, $0xb8;
	[tilespmem:$0x1E800] =	vst v63  }
0x7d: {  	s15 =	simm.s32 @!p0 $0x18000  }
0x7e: {  	[tilespmem:s15], [sflag:$0x1] =	stream.indirect_vreg.gather @!p0 [hbm4b:s8+s14], $0x80, v2, vm1, $0xb8;
	[tilespmem:$0x1E800] =	vst v63  }
0x7f: {  	_ =	swait.ge [sflag:s25], $0x2000  }
0x80: {  	[sflag:s25] =	ssyncset.done $0x0  }
0x81: {  	[sflag:s25] =	ssyncadd.s32 $0xFFFFE000  }
0x82: {  	v2 =	vld [tilespmem:s13+$0x0];
	_ =	sdelay $0x3  }
0x83: {  	s15 =	rddreg [dreg:$0x6]  }
0x84: {  	s15 =	sadd.s32 s11, s15;
	[tilespmem:s20+$0x0] =	vst.add.f32.msk $0xffff, v2  }
0x85: {  	[hbm4b:s15+s4] =	stream.linear.scatter [tilespmem:s20], [sflag:$0x7], $0x2000, $0x38;
	[tilespmem:$0x1E800] =	vst v63  }
0x86: {  	_ =	swait.ge [sflag:s26], $0x2000  }
0x87: {  	[sflag:s26] =	ssyncset.done $0x0  }
0x88: {  	[sflag:s26] =	ssyncadd.s32 $0xFFFFE000  }
0x89: {  	v2 =	vld.msk @!p0 [tilespmem:s0+$0x0], $0xff;
	_ =	sdelay $0x4  }
0x8a: {  	v5 =	vshll.u32 @!p0 v2, $0x3  }
0x8b: {  	v2 =	vand.u32 @!p0 $0x7, v2;
	v5 =	vand.u32 @!p0 $0xFFFFFFC0, v5  }
0x8c: {  	v2 =	vor.u32 @!p0 v2, v5  }
0x8d: {  	v2 =	vperm.xlane @!p0 v2, v3;
	_ =	sdelay $0x1  }
0x8e: {  	v2 =	vadd.s32 @!p0 v4, v2;
	_ =	sdelay $0x3  }
0x8f: {  	s15 =	simm.s32 @!p0 $0x18800  }
0x90: {  	[tilespmem:s15], [sflag:$0x2] =	stream.indirect_vreg.gather @!p0 [hbm4b:s1+s14], $0x80, v2, vm1, $0xb8;
	[tilespmem:$0x1E800] =	vst v63  }
0x91: {  	s15 =	simm.s32 @!p0 $0x19000  }
0x92: {  	[tilespmem:s15], [sflag:$0x2] =	stream.indirect_vreg.gather @!p0 [hbm4b:s6+s14], $0x80, v2, vm1, $0xb8;
	[tilespmem:$0x1E800] =	vst v63  }
0x93: {  	s15 =	simm.s32 @!p0 $0x19800  }
0x94: {  	[tilespmem:s15], [sflag:$0x2] =	stream.indirect_vreg.gather @!p0 [hbm4b:s7+s14], $0x80, v2, vm1, $0xb8;
	[tilespmem:$0x1E800] =	vst v63  }
0x95: {  	s15 =	simm.s32 @!p0 $0x1A000  }
0x96: {  	[tilespmem:s15], [sflag:$0x2] =	stream.indirect_vreg.gather @!p0 [hbm4b:s8+s14], $0x80, v2, vm1, $0xb8;
	[tilespmem:$0x1E800] =	vst v63  }
0x97: {  	_ =	swait.ge [sflag:s28], $0x2000  }
0x98: {  	[sflag:s28] =	ssyncset.done $0x0  }
0x99: {  	s15 =	rddreg [dreg:$0x5];
	[sflag:s28] =	ssyncadd.s32 $0xFFFFE000  }
0x9a: {  	v2 =	vld [tilespmem:s13+$0x0];
	s13 =	sadd.s32 s11, s15;
	s11 =	sadd.s32 $0x20000, s11  }
0x9b: {  	p0 =	sne.s32 s11, $0x9A0000  }
.Ltmp0:
0x9c: {  	_ = 	snop;
	(pc) =	sbr.rel @p0 .LBB2_2-.Ltmp0, $3  }
0x9d: {  	_ =	sdelay $0x1  }
0x9e: {  	s3 =	sadd.s32 $0x400, s3;
	s2 =	sadd.s32 $0x80, s2;
	s0 =	sadd.s32 $0x80, s0;
	[tilespmem:s22+$0x0] =	vst.add.f32.msk $0xffff, v2  }
0x9f: {  	[hbm4b:s13+s4] =	stream.linear.scatter [tilespmem:s22], [sflag:$0x8], $0x2000, $0x38;
	[tilespmem:$0x1E800] =	vst v63  }
0xa0: {  	s31 =	sadd.s32 $0x1, s31  }
0xa1: {  	_ =	swait.ge [sflag:s29], $0x2000;
	p0 =	sne.s32 s31, s9  }
.Ltmp1:
0xa2: {  	[sflag:s29] =	ssyncset.done $0x0;
	(pc) =	sbr.rel @p0 .LBB2_1-.Ltmp1, $4  }
0xa3: {  	[sflag:s29] =	ssyncadd.s32 $0xFFFFE000  }
0xa4: {  	_ =	swait.ge [sflag:s30], $0x2000  }
0xa5: {  	[sflag:s30] =	ssyncset.done $0x0  }
0xa6: {  	[sflag:s30] =	ssyncadd.s32 $0xFFFFE000  }
0xa7: {  	_ =	sfence.sel $0x180000  }
0xa8: {  	[bflag:$0x0] =	sbarrier.arrive $0xFFFF  }
0xa9: {  	_ =	strace $0x90000047  }
0xaa: {  	s0 =	stileid.u32;
	[bflag:$0x2] =	sbarrier.arrive $0xFFFF  }
0xab: {  	p0 =	sne.s32 s0, $0x0;
	s0 =	rddreg [dreg:$0x4]  }
0xac: {  	s0 =	sadd.s32 @!p0 $0x100000, s0  }
0xad: {  	[sflag:s0] =	ssyncadd.tile.s32 @!p0 $0x1;
	_ =	shalt  }
.Lfunc_end2:
_tile_overlayer_lowered:
.L_overlay_start_2:
0xae: {  	(tag) =	ssettag $0x2  }
0xaf: {  	s0 =	rddreg [dreg:$0x0];
	s2 =	stileid.u32  }
0xb0: {  	s1 =	rddreg [dreg:$0x1];
	p0 =	sne.s32 s2, $0x0  }
0xb1: {  	s3 =	rddreg [dreg:$0x2];
	[bflag:$0x3] =	sbarrier.arrive $0xFFFF;
	s2 =	simm.s32 @!p0 $0x1C09  }
0xb2: {  	[timem:s3], [sflag:s2] =	dma.local @!p0 [hbm:s0], s1  }
0xb3: {  	s0 =	simm.s32 @!p0 $0x9  }
0xb4: {  	_ =	swait.ge @!p0 [sflag:s0], s1  }
0xb5: {  	s1 =	ssub.s32 @!p0 $0x0, s1;
	[sflag:s0] =	ssyncset.done @!p0 $0x0  }
0xb6: {  	[sflag:s0] =	ssyncadd.s32 @!p0 s1  }
0xb7: {  	[bflag:$0x3] =	sbarrier.arrive $0xFFFF  }
0xb8: {  	_ =	shalt  }

</sc_bundles>
